<compile_context>
chip_gen: v7x
topology: tpu7x:2x2x1
jax: 0.10.2.dev20260603
libtpu: 0.0.44.dev20260713+nightly
codegen_flags: <defaults>
</compile_context>

<pallas_src>
import functools

import jax
import jax.numpy as jnp
from jax import lax
from jax.experimental import pallas as pl
from jax.experimental.pallas import tpu as pltpu
from jax.experimental.pallas import tpu_sc as plsc

N = 100000
D = 128
V = 10
NC, NS = 2, 16
NW = NC * NS
CHUNK = 112
NCHUNKS = (N + CHUNK - 1) // CHUNK
T = (NCHUNKS + NW - 1) // NW
SPAN = T * CHUNK
NBUF = 4


@functools.lru_cache(maxsize=1)
def _build():
    @functools.partial(
        pl.kernel,
        out_type=jax.ShapeDtypeStruct((N, D), jnp.float32),
        mesh=plsc.VectorSubcoreMesh(core_axis_name="c", subcore_axis_name="s"),
        scratch_types=[
            pltpu.VMEM_SHARED((V, D), jnp.float32),
            pltpu.VMEM((SPAN,), jnp.int32),
        ]
        + [pltpu.VMEM((CHUNK, D), jnp.float32) for _ in range(NBUF)]
        + [pltpu.SemaphoreType.DMA for _ in range(2 * NBUF + 2)],
    )
    def _lookup(idx_hbm, tab_hbm, out_hbm, tab_sh, idx_all, *bufs_and_sems):
        rows = bufs_and_sems[:NBUF]
        gsem = bufs_and_sems[NBUF:2 * NBUF]
        wsem = bufs_and_sems[2 * NBUF:3 * NBUF]
        isem0, isem1 = bufs_and_sems[3 * NBUF:]

        cid = lax.axis_index("c")
        sid = lax.axis_index("s")
        wid = sid * NC + cid

        span = jnp.minimum((wid * NCHUNKS) // NW * CHUNK, N - SPAN)

        idx0 = pltpu.async_copy(
            idx_hbm.at[pl.ds(span, CHUNK)], idx_all.at[pl.ds(0, CHUNK)], isem0
        )
        idx_rest = pltpu.async_copy(
            idx_hbm.at[pl.ds(span + CHUNK, SPAN - CHUNK)],
            idx_all.at[pl.ds(CHUNK, SPAN - CHUNK)],
            isem1,
        )

        @pl.when(sid == 0)
        def _():
            pltpu.sync_copy(tab_hbm, tab_sh)

        plsc.subcore_barrier()

        def start_gather(i, k):
            return pltpu.async_copy(
                tab_sh.at[idx_all.at[pl.ds(i * CHUNK, CHUNK)]], rows[k], gsem[k]
            )

        def wait_gather(k):
            pltpu.make_async_copy(out_hbm.at[pl.ds(0, CHUNK)], rows[k],
                                  gsem[k]).wait()

        def wait_write(k):
            pltpu.make_async_copy(rows[k], out_hbm.at[pl.ds(0, CHUNK)],
                                  wsem[k]).wait()

        idx0.wait()
        start_gather(0, 0)
        idx_rest.wait()
        for k in range(1, NBUF):
            start_gather(k, k)
        ngroups = T // NBUF

        def group(g, carry):
            for k in range(NBUF):
                i = g * NBUF + k
                wait_gather(k)
                pltpu.async_copy(
                    rows[k], out_hbm.at[pl.ds(span + i * CHUNK, CHUNK)],
                    wsem[k],
                )
            for k in range(NBUF):
                wait_write(k)

                @pl.when(g < ngroups - 1)
                def _(k=k):
                    start_gather((g + 1) * NBUF + k, k)

            return carry

        lax.fori_loop(0, ngroups, group, 0, unroll=False)

    return _lookup


def kernel(atomic_num, embedding):
    idx = atomic_num.astype(jnp.int32)
    return _build()(idx, embedding)

# --- scband reference (transcript-rebuilt; emitter-appended) ---
"""Pipeline reference for scband-embedding-block-0-80135499809050 (READ-ONLY COPY).

The authoritative reference and input builder live on the scoring server;
editing this copy changes nothing except your own understanding.
"""

import jax, jax.numpy as jnp
import numpy as np

def setup_inputs(seed: int = 0) -> dict:
    key = jax.random.key(seed)
    k1, k2 = jax.random.split(key)
    atomic_num = jax.random.randint(k1, (100000,), 0, 10, dtype=jnp.int64)
    s = float(np.sqrt(3))
    embedding = jax.random.uniform(k2, (10, 128), dtype=jnp.float32, minval=-s, maxval=s)
    return {"atomic_num": atomic_num, "embedding": embedding}

def reference(atomic_num, embedding):
    return jnp.take(embedding, atomic_num, axis=0)

if __name__ == "__main__":
    import jax
    _d = setup_inputs()
    print(jax.jit(kernel)(*tuple(_d.values())))

</pallas_src>

<mosaic_0001>
#map = affine_map<(d0, d1) -> (0)>
#map1 = affine_map<(d0, d1) -> (0, 0)>
module attributes {stable_mosaic.version = 14 : i64} {
  func.func @_lookup(%arg0: i32, %arg1: i32, %arg2: memref<100000xi32, #tpu.memory_space<hbm>>, %arg3: memref<10x128xf32, #tpu.memory_space<hbm>>, %arg4: memref<100000x128xf32, #tpu.memory_space<hbm>>, %arg5: memref<10x128xf32, #tpu.memory_space<vmem_shared>>, %arg6: memref<3136xi32, #tpu.memory_space<vmem>>, %arg7: memref<112x128xf32, #tpu.memory_space<vmem>>, %arg8: memref<112x128xf32, #tpu.memory_space<vmem>>, %arg9: memref<112x128xf32, #tpu.memory_space<vmem>>, %arg10: memref<112x128xf32, #tpu.memory_space<vmem>>, %arg11: memref<!tpu.dma_semaphore, #tpu.memory_space<semaphore_mem>>, %arg12: memref<!tpu.dma_semaphore, #tpu.memory_space<semaphore_mem>>, %arg13: memref<!tpu.dma_semaphore, #tpu.memory_space<semaphore_mem>>, %arg14: memref<!tpu.dma_semaphore, #tpu.memory_space<semaphore_mem>>, %arg15: memref<!tpu.dma_semaphore, #tpu.memory_space<semaphore_mem>>, %arg16: memref<!tpu.dma_semaphore, #tpu.memory_space<semaphore_mem>>, %arg17: memref<!tpu.dma_semaphore, #tpu.memory_space<semaphore_mem>>, %arg18: memref<!tpu.dma_semaphore, #tpu.memory_space<semaphore_mem>>, %arg19: memref<!tpu.dma_semaphore, #tpu.memory_space<semaphore_mem>>, %arg20: memref<!tpu.dma_semaphore, #tpu.memory_space<semaphore_mem>>) attributes {dimension_semantics = [#tpu.dimension_semantics<core_parallel>, #tpu.dimension_semantics<subcore_parallel>], iteration_bounds = array<i64: 2, 16>, scalar_prefetch = 0 : i64, scratch_operands = 16 : i64, tpu.core_type = #tpu.core_type<sc_vector_subcore>, window_params = [{transform_indices = #map}, {transform_indices = #map1}, {transform_indices = #map1}]} {
    %mul3A = arith.constant 2 : i32
    %mul3A_0 = arith.muli %arg1, %mul3A : i32
    %add3A = arith.addi %mul3A_0, %arg0 : i32
    %mul3A_1 = arith.constant 893 : i32
    %mul3A_2 = arith.muli %add3A, %mul3A_1 : i32
    %jit3A = arith.constant 32 : i32
    %div3A = arith.divsi %mul3A_2, %jit3A : i32
    %sign3A = arith.constant 0 : i32
    %sign3A_3 = arith.cmpi sgt, %mul3A_2, %sign3A : i32
    %sign3A_4 = arith.extui %sign3A_3 : i1 to i32
    %sign3A_5 = arith.constant 0 : i32
    %sign3A_6 = arith.cmpi slt, %mul3A_2, %sign3A_5 : i32
    %sign3A_7 = arith.extui %sign3A_6 : i1 to i32
    %sign3A_8 = arith.subi %sign3A_4, %sign3A_7 : i32
    %sign3A_9 = arith.constant 0 : i32
    %sign3A_10 = arith.cmpi sgt, %jit3A, %sign3A_9 : i32
    %sign3A_11 = arith.extui %sign3A_10 : i1 to i32
    %sign3A_12 = arith.constant 0 : i32
    %sign3A_13 = arith.cmpi slt, %jit3A, %sign3A_12 : i32
    %sign3A_14 = arith.extui %sign3A_13 : i1 to i32
    %sign3A_15 = arith.subi %sign3A_11, %sign3A_14 : i32
    %ne3A = arith.cmpi ne, %sign3A_8, %sign3A_15 : i32
    %rem3A = arith.remsi %mul3A_2, %jit3A : i32
    %ne3A_16 = arith.constant 0 : i32
    %ne3A_17 = arith.cmpi ne, %rem3A, %ne3A_16 : i32
    %and3A = arith.andi %ne3A, %ne3A_17 : i1
    %sub3A = arith.constant 1 : i32
    %sub3A_18 = arith.subi %div3A, %sub3A : i32
    %select_n3A = arith.select %and3A, %sub3A_18, %div3A : i32
    %mul3A_19 = arith.constant 112 : i32
    %mul3A_20 = arith.muli %select_n3A, %mul3A_19 : i32
    %min3A = arith.constant 96864 : i32
    %min3A_21 = arith.minsi %mul3A_20, %min3A : i32
    %dma_start3A = arith.constant 0 : i32
    %dma_start3A_22 = tpu.memref_slice %arg6[%dma_start3A] : memref<3136xi32, #tpu.memory_space<vmem>> -> memref<112xi32, #tpu.memory_space<vmem>>
    %dma_start3A_23 = tpu.memref_slice %arg2[%min3A_21] : memref<100000xi32, #tpu.memory_space<hbm>> -> memref<112xi32, #tpu.memory_space<hbm>>
    %dma_start3A_24 = arith.constant 0 : i32
    %dma_start3A_25 = tpu.memref_slice %arg6[%dma_start3A_24] : memref<3136xi32, #tpu.memory_space<vmem>> -> memref<112xi32, #tpu.memory_space<vmem>>
    %dma_start3A_26 = tpu.memref_slice %arg2[%min3A_21] : memref<100000xi32, #tpu.memory_space<hbm>> -> memref<112xi32, #tpu.memory_space<hbm>>
    tpu.enqueue_dma source(%dma_start3A_26 : memref<112xi32, #tpu.memory_space<hbm>>) target(%dma_start3A_25 : memref<112xi32, #tpu.memory_space<vmem>>) target_semaphore(%arg19 : memref<!tpu.dma_semaphore, #tpu.memory_space<semaphore_mem>>)
    %add3A_27 = arith.constant 112 : i32
    %add3A_28 = arith.addi %min3A_21, %add3A_27 : i32
    %dma_start3A_29 = arith.constant 112 : i32
    %dma_start3A_30 = tpu.memref_slice %arg6[%dma_start3A_29] : memref<3136xi32, #tpu.memory_space<vmem>> -> memref<3024xi32, #tpu.memory_space<vmem>>
    %dma_start3A_31 = tpu.memref_slice %arg2[%add3A_28] : memref<100000xi32, #tpu.memory_space<hbm>> -> memref<3024xi32, #tpu.memory_space<hbm>>
    %dma_start3A_32 = arith.constant 112 : i32
    %dma_start3A_33 = tpu.memref_slice %arg6[%dma_start3A_32] : memref<3136xi32, #tpu.memory_space<vmem>> -> memref<3024xi32, #tpu.memory_space<vmem>>
    %dma_start3A_34 = tpu.memref_slice %arg2[%add3A_28] : memref<100000xi32, #tpu.memory_space<hbm>> -> memref<3024xi32, #tpu.memory_space<hbm>>
    tpu.enqueue_dma source(%dma_start3A_34 : memref<3024xi32, #tpu.memory_space<hbm>>) target(%dma_start3A_33 : memref<3024xi32, #tpu.memory_space<vmem>>) target_semaphore(%arg20 : memref<!tpu.dma_semaphore, #tpu.memory_space<semaphore_mem>>)
    %eq3A = arith.constant 0 : i32
    %eq3A_35 = arith.cmpi eq, %arg1, %eq3A : i32
    %convert_element_type3A = arith.extui %eq3A_35 : i1 to i32
    %cond3A = arith.constant 0 : i32
    %cond3A_36 = arith.cmpi ne, %convert_element_type3A, %cond3A : i32
    scf.if %cond3A_36 {
      "tpu.region"() ({
        %run_scoped3A = tpu.sem_alloc : memref<!tpu.dma_semaphore, #tpu.memory_space<semaphore_mem>>
        tpu.enqueue_dma source(%arg3 : memref<10x128xf32, #tpu.memory_space<hbm>>) target(%arg5 : memref<10x128xf32, #tpu.memory_space<vmem_shared>>) target_semaphore(%run_scoped3A : memref<!tpu.dma_semaphore, #tpu.memory_space<semaphore_mem>>)
        tpu.wait_dma2 semaphore(%run_scoped3A : memref<!tpu.dma_semaphore, #tpu.memory_space<semaphore_mem>>) src(%arg3 : memref<10x128xf32, #tpu.memory_space<hbm>>) dst(%arg5 : memref<10x128xf32, #tpu.memory_space<vmem_shared>>)
        tpu.yield
      }) : () -> ()
    } else {
    }
    %barrier3A = arith.constant 0 : index
    tpu.barrier barrier_id(%barrier3A)
    %dma_wait3A = arith.constant 0 : i32
    %dma_wait3A_37 = tpu.memref_slice %arg6[%dma_wait3A] : memref<3136xi32, #tpu.memory_space<vmem>> -> memref<112xi32, #tpu.memory_space<vmem>>
    %dma_wait3A_38 = tpu.memref_slice %arg2[%min3A_21] : memref<100000xi32, #tpu.memory_space<hbm>> -> memref<112xi32, #tpu.memory_space<hbm>>
    %dma_wait3A_39 = arith.constant 0 : i32
    %dma_wait3A_40 = tpu.memref_slice %arg6[%dma_wait3A_39] : memref<3136xi32, #tpu.memory_space<vmem>> -> memref<112xi32, #tpu.memory_space<vmem>>
    %dma_wait3A_41 = tpu.memref_slice %arg2[%min3A_21] : memref<100000xi32, #tpu.memory_space<hbm>> -> memref<112xi32, #tpu.memory_space<hbm>>
    tpu.wait_dma2 semaphore(%arg19 : memref<!tpu.dma_semaphore, #tpu.memory_space<semaphore_mem>>) src(%dma_wait3A_41 : memref<112xi32, #tpu.memory_space<hbm>>) dst(%dma_wait3A_40 : memref<112xi32, #tpu.memory_space<vmem>>)
    %dma_start3A_42 = arith.constant 0 : i32
    %dma_start3A_43 = tpu.memref_slice %arg6[%dma_start3A_42] : memref<3136xi32, #tpu.memory_space<vmem>> -> memref<112xi32, #tpu.memory_space<vmem>>
    %dma_start3A_44 = arith.constant 0 : i32
    %dma_start3A_45 = arith.constant 0 : i32
    %dma_start3A_46 = tpu.memref_slice %arg5[%dma_start3A_44, %dma_start3A_45] : memref<10x128xf32, #tpu.memory_space<vmem_shared>> -> memref<10x128xf32, #tpu.memory_space<vmem_shared>>
    tpu.enqueue_indirect_dma source(%dma_start3A_46 : memref<10x128xf32, #tpu.memory_space<vmem_shared>>) target(%arg7 : memref<112x128xf32, #tpu.memory_space<vmem>>) offsets(%dma_start3A_43 : memref<112xi32, #tpu.memory_space<vmem>>) semaphore(%arg11 : memref<!tpu.dma_semaphore, #tpu.memory_space<semaphore_mem>>)
    %dma_wait3A_47 = arith.constant 112 : i32
    %dma_wait3A_48 = tpu.memref_slice %arg6[%dma_wait3A_47] : memref<3136xi32, #tpu.memory_space<vmem>> -> memref<3024xi32, #tpu.memory_space<vmem>>
    %dma_wait3A_49 = tpu.memref_slice %arg2[%add3A_28] : memref<100000xi32, #tpu.memory_space<hbm>> -> memref<3024xi32, #tpu.memory_space<hbm>>
    %dma_wait3A_50 = arith.constant 112 : i32
    %dma_wait3A_51 = tpu.memref_slice %arg6[%dma_wait3A_50] : memref<3136xi32, #tpu.memory_space<vmem>> -> memref<3024xi32, #tpu.memory_space<vmem>>
    %dma_wait3A_52 = tpu.memref_slice %arg2[%add3A_28] : memref<100000xi32, #tpu.memory_space<hbm>> -> memref<3024xi32, #tpu.memory_space<hbm>>
    tpu.wait_dma2 semaphore(%arg20 : memref<!tpu.dma_semaphore, #tpu.memory_space<semaphore_mem>>) src(%dma_wait3A_52 : memref<3024xi32, #tpu.memory_space<hbm>>) dst(%dma_wait3A_51 : memref<3024xi32, #tpu.memory_space<vmem>>)
    %dma_start3A_53 = arith.constant 112 : i32
    %dma_start3A_54 = tpu.memref_slice %arg6[%dma_start3A_53] : memref<3136xi32, #tpu.memory_space<vmem>> -> memref<112xi32, #tpu.memory_space<vmem>>
    %dma_start3A_55 = arith.constant 0 : i32
    %dma_start3A_56 = arith.constant 0 : i32
    %dma_start3A_57 = tpu.memref_slice %arg5[%dma_start3A_55, %dma_start3A_56] : memref<10x128xf32, #tpu.memory_space<vmem_shared>> -> memref<10x128xf32, #tpu.memory_space<vmem_shared>>
    tpu.enqueue_indirect_dma source(%dma_start3A_57 : memref<10x128xf32, #tpu.memory_space<vmem_shared>>) target(%arg8 : memref<112x128xf32, #tpu.memory_space<vmem>>) offsets(%dma_start3A_54 : memref<112xi32, #tpu.memory_space<vmem>>) semaphore(%arg12 : memref<!tpu.dma_semaphore, #tpu.memory_space<semaphore_mem>>)
    %dma_start3A_58 = arith.constant 224 : i32
    %dma_start3A_59 = tpu.memref_slice %arg6[%dma_start3A_58] : memref<3136xi32, #tpu.memory_space<vmem>> -> memref<112xi32, #tpu.memory_space<vmem>>
    %dma_start3A_60 = arith.constant 0 : i32
    %dma_start3A_61 = arith.constant 0 : i32
    %dma_start3A_62 = tpu.memref_slice %arg5[%dma_start3A_60, %dma_start3A_61] : memref<10x128xf32, #tpu.memory_space<vmem_shared>> -> memref<10x128xf32, #tpu.memory_space<vmem_shared>>
    tpu.enqueue_indirect_dma source(%dma_start3A_62 : memref<10x128xf32, #tpu.memory_space<vmem_shared>>) target(%arg9 : memref<112x128xf32, #tpu.memory_space<vmem>>) offsets(%dma_start3A_59 : memref<112xi32, #tpu.memory_space<vmem>>) semaphore(%arg13 : memref<!tpu.dma_semaphore, #tpu.memory_space<semaphore_mem>>)
    %dma_start3A_63 = arith.constant 336 : i32
    %dma_start3A_64 = tpu.memref_slice %arg6[%dma_start3A_63] : memref<3136xi32, #tpu.memory_space<vmem>> -> memref<112xi32, #tpu.memory_space<vmem>>
    %dma_start3A_65 = arith.constant 0 : i32
    %dma_start3A_66 = arith.constant 0 : i32
    %dma_start3A_67 = tpu.memref_slice %arg5[%dma_start3A_65, %dma_start3A_66] : memref<10x128xf32, #tpu.memory_space<vmem_shared>> -> memref<10x128xf32, #tpu.memory_space<vmem_shared>>
    tpu.enqueue_indirect_dma source(%dma_start3A_67 : memref<10x128xf32, #tpu.memory_space<vmem_shared>>) target(%arg10 : memref<112x128xf32, #tpu.memory_space<vmem>>) offsets(%dma_start3A_64 : memref<112xi32, #tpu.memory_space<vmem>>) semaphore(%arg14 : memref<!tpu.dma_semaphore, #tpu.memory_space<semaphore_mem>>)
    %scan3A = arith.constant 0 : i32
    %scan3A_68 = arith.constant 0 : i32
    %scan3A_69 = arith.constant 7 : i32
    %scan3A_70 = arith.addi %scan3A_68, %scan3A_69 : i32
    %scan3A_71 = arith.constant 1 : i32
    scf.for %scan3A_73 = %scan3A_68 to %scan3A_70 step %scan3A_71  : i32 {
      %mul3A_74 = arith.constant 4 : i32
      %mul3A_75 = arith.muli %scan3A_73, %mul3A_74 : i32
      %add3A_76 = arith.constant 0 : i32
      %add3A_77 = arith.addi %mul3A_75, %add3A_76 : i32
      %dma_wait3A_78 = arith.constant 0 : i32
      %dma_wait3A_79 = arith.constant 0 : i32
      %dma_wait3A_80 = tpu.memref_slice %arg4[%dma_wait3A_78, %dma_wait3A_79] : memref<100000x128xf32, #tpu.memory_space<hbm>> -> memref<112x128xf32, #tpu.memory_space<hbm>>
      %dma_wait3A_81 = arith.constant 0 : i32
      %dma_wait3A_82 = arith.constant 0 : i32
      %dma_wait3A_83 = tpu.memref_slice %arg4[%dma_wait3A_81, %dma_wait3A_82] : memref<100000x128xf32, #tpu.memory_space<hbm>> -> memref<112x128xf32, #tpu.memory_space<hbm>>
      tpu.wait_dma2 semaphore(%arg11 : memref<!tpu.dma_semaphore, #tpu.memory_space<semaphore_mem>>) src(%dma_wait3A_83 : memref<112x128xf32, #tpu.memory_space<hbm>>) dst(%arg7 : memref<112x128xf32, #tpu.memory_space<vmem>>)
      %mul3A_84 = arith.constant 112 : i32
      %mul3A_85 = arith.muli %add3A_77, %mul3A_84 : i32
      %add3A_86 = arith.addi %min3A_21, %mul3A_85 : i32
      %dma_start3A_87 = arith.constant 0 : i32
      %dma_start3A_88 = tpu.memref_slice %arg4[%add3A_86, %dma_start3A_87] : memref<100000x128xf32, #tpu.memory_space<hbm>> -> memref<112x128xf32, #tpu.memory_space<hbm>>
      %dma_start3A_89 = arith.constant 0 : i32
      %dma_start3A_90 = tpu.memref_slice %arg4[%add3A_86, %dma_start3A_89] : memref<100000x128xf32, #tpu.memory_space<hbm>> -> memref<112x128xf32, #tpu.memory_space<hbm>>
      tpu.enqueue_dma source(%arg7 : memref<112x128xf32, #tpu.memory_space<vmem>>) target(%dma_start3A_90 : memref<112x128xf32, #tpu.memory_space<hbm>>) target_semaphore(%arg15 : memref<!tpu.dma_semaphore, #tpu.memory_space<semaphore_mem>>)
      %mul3A_91 = arith.constant 4 : i32
      %mul3A_92 = arith.muli %scan3A_73, %mul3A_91 : i32
      %add3A_93 = arith.constant 1 : i32
      %add3A_94 = arith.addi %mul3A_92, %add3A_93 : i32
      %dma_wait3A_95 = arith.constant 0 : i32
      %dma_wait3A_96 = arith.constant 0 : i32
      %dma_wait3A_97 = tpu.memref_slice %arg4[%dma_wait3A_95, %dma_wait3A_96] : memref<100000x128xf32, #tpu.memory_space<hbm>> -> memref<112x128xf32, #tpu.memory_space<hbm>>
      %dma_wait3A_98 = arith.constant 0 : i32
      %dma_wait3A_99 = arith.constant 0 : i32
      %dma_wait3A_100 = tpu.memref_slice %arg4[%dma_wait3A_98, %dma_wait3A_99] : memref<100000x128xf32, #tpu.memory_space<hbm>> -> memref<112x128xf32, #tpu.memory_space<hbm>>
      tpu.wait_dma2 semaphore(%arg12 : memref<!tpu.dma_semaphore, #tpu.memory_space<semaphore_mem>>) src(%dma_wait3A_100 : memref<112x128xf32, #tpu.memory_space<hbm>>) dst(%arg8 : memref<112x128xf32, #tpu.memory_space<vmem>>)
      %mul3A_101 = arith.constant 112 : i32
      %mul3A_102 = arith.muli %add3A_94, %mul3A_101 : i32
      %add3A_103 = arith.addi %min3A_21, %mul3A_102 : i32
      %dma_start3A_104 = arith.constant 0 : i32
      %dma_start3A_105 = tpu.memref_slice %arg4[%add3A_103, %dma_start3A_104] : memref<100000x128xf32, #tpu.memory_space<hbm>> -> memref<112x128xf32, #tpu.memory_space<hbm>>
      %dma_start3A_106 = arith.constant 0 : i32
      %dma_start3A_107 = tpu.memref_slice %arg4[%add3A_103, %dma_start3A_106] : memref<100000x128xf32, #tpu.memory_space<hbm>> -> memref<112x128xf32, #tpu.memory_space<hbm>>
      tpu.enqueue_dma source(%arg8 : memref<112x128xf32, #tpu.memory_space<vmem>>) target(%dma_start3A_107 : memref<112x128xf32, #tpu.memory_space<hbm>>) target_semaphore(%arg16 : memref<!tpu.dma_semaphore, #tpu.memory_space<semaphore_mem>>)
      %mul3A_108 = arith.constant 4 : i32
      %mul3A_109 = arith.muli %scan3A_73, %mul3A_108 : i32
      %add3A_110 = arith.constant 2 : i32
      %add3A_111 = arith.addi %mul3A_109, %add3A_110 : i32
      %dma_wait3A_112 = arith.constant 0 : i32
      %dma_wait3A_113 = arith.constant 0 : i32
      %dma_wait3A_114 = tpu.memref_slice %arg4[%dma_wait3A_112, %dma_wait3A_113] : memref<100000x128xf32, #tpu.memory_space<hbm>> -> memref<112x128xf32, #tpu.memory_space<hbm>>
      %dma_wait3A_115 = arith.constant 0 : i32
      %dma_wait3A_116 = arith.constant 0 : i32
      %dma_wait3A_117 = tpu.memref_slice %arg4[%dma_wait3A_115, %dma_wait3A_116] : memref<100000x128xf32, #tpu.memory_space<hbm>> -> memref<112x128xf32, #tpu.memory_space<hbm>>
      tpu.wait_dma2 semaphore(%arg13 : memref<!tpu.dma_semaphore, #tpu.memory_space<semaphore_mem>>) src(%dma_wait3A_117 : memref<112x128xf32, #tpu.memory_space<hbm>>) dst(%arg9 : memref<112x128xf32, #tpu.memory_space<vmem>>)
      %mul3A_118 = arith.constant 112 : i32
      %mul3A_119 = arith.muli %add3A_111, %mul3A_118 : i32
      %add3A_120 = arith.addi %min3A_21, %mul3A_119 : i32
      %dma_start3A_121 = arith.constant 0 : i32
      %dma_start3A_122 = tpu.memref_slice %arg4[%add3A_120, %dma_start3A_121] : memref<100000x128xf32, #tpu.memory_space<hbm>> -> memref<112x128xf32, #tpu.memory_space<hbm>>
      %dma_start3A_123 = arith.constant 0 : i32
      %dma_start3A_124 = tpu.memref_slice %arg4[%add3A_120, %dma_start3A_123] : memref<100000x128xf32, #tpu.memory_space<hbm>> -> memref<112x128xf32, #tpu.memory_space<hbm>>
      tpu.enqueue_dma source(%arg9 : memref<112x128xf32, #tpu.memory_space<vmem>>) target(%dma_start3A_124 : memref<112x128xf32, #tpu.memory_space<hbm>>) target_semaphore(%arg17 : memref<!tpu.dma_semaphore, #tpu.memory_space<semaphore_mem>>)
      %mul3A_125 = arith.constant 4 : i32
      %mul3A_126 = arith.muli %scan3A_73, %mul3A_125 : i32
      %add3A_127 = arith.constant 3 : i32
      %add3A_128 = arith.addi %mul3A_126, %add3A_127 : i32
      %dma_wait3A_129 = arith.constant 0 : i32
      %dma_wait3A_130 = arith.constant 0 : i32
      %dma_wait3A_131 = tpu.memref_slice %arg4[%dma_wait3A_129, %dma_wait3A_130] : memref<100000x128xf32, #tpu.memory_space<hbm>> -> memref<112x128xf32, #tpu.memory_space<hbm>>
      %dma_wait3A_132 = arith.constant 0 : i32
      %dma_wait3A_133 = arith.constant 0 : i32
      %dma_wait3A_134 = tpu.memref_slice %arg4[%dma_wait3A_132, %dma_wait3A_133] : memref<100000x128xf32, #tpu.memory_space<hbm>> -> memref<112x128xf32, #tpu.memory_space<hbm>>
      tpu.wait_dma2 semaphore(%arg14 : memref<!tpu.dma_semaphore, #tpu.memory_space<semaphore_mem>>) src(%dma_wait3A_134 : memref<112x128xf32, #tpu.memory_space<hbm>>) dst(%arg10 : memref<112x128xf32, #tpu.memory_space<vmem>>)
      %mul3A_135 = arith.constant 112 : i32
      %mul3A_136 = arith.muli %add3A_128, %mul3A_135 : i32
      %add3A_137 = arith.addi %min3A_21, %mul3A_136 : i32
      %dma_start3A_138 = arith.constant 0 : i32
      %dma_start3A_139 = tpu.memref_slice %arg4[%add3A_137, %dma_start3A_138] : memref<100000x128xf32, #tpu.memory_space<hbm>> -> memref<112x128xf32, #tpu.memory_space<hbm>>
      %dma_start3A_140 = arith.constant 0 : i32
      %dma_start3A_141 = tpu.memref_slice %arg4[%add3A_137, %dma_start3A_140] : memref<100000x128xf32, #tpu.memory_space<hbm>> -> memref<112x128xf32, #tpu.memory_space<hbm>>
      tpu.enqueue_dma source(%arg10 : memref<112x128xf32, #tpu.memory_space<vmem>>) target(%dma_start3A_141 : memref<112x128xf32, #tpu.memory_space<hbm>>) target_semaphore(%arg18 : memref<!tpu.dma_semaphore, #tpu.memory_space<semaphore_mem>>)
      %dma_wait3A_142 = arith.constant 0 : i32
      %dma_wait3A_143 = arith.constant 0 : i32
      %dma_wait3A_144 = tpu.memref_slice %arg4[%dma_wait3A_142, %dma_wait3A_143] : memref<100000x128xf32, #tpu.memory_space<hbm>> -> memref<112x128xf32, #tpu.memory_space<hbm>>
      %dma_wait3A_145 = arith.constant 0 : i32
      %dma_wait3A_146 = arith.constant 0 : i32
      %dma_wait3A_147 = tpu.memref_slice %arg4[%dma_wait3A_145, %dma_wait3A_146] : memref<100000x128xf32, #tpu.memory_space<hbm>> -> memref<112x128xf32, #tpu.memory_space<hbm>>
      tpu.wait_dma2 semaphore(%arg15 : memref<!tpu.dma_semaphore, #tpu.memory_space<semaphore_mem>>) src(%arg7 : memref<112x128xf32, #tpu.memory_space<vmem>>) dst(%dma_wait3A_147 : memref<112x128xf32, #tpu.memory_space<hbm>>)
      %lt3A = arith.constant 6 : i32
      %lt3A_148 = arith.cmpi slt, %scan3A_73, %lt3A : i32
      %convert_element_type3A_149 = arith.extui %lt3A_148 : i1 to i32
      %cond3A_150 = arith.constant 0 : i32
      %cond3A_151 = arith.cmpi ne, %convert_element_type3A_149, %cond3A_150 : i32
      scf.if %cond3A_151 {
        %add3A_185 = arith.constant 1 : i32
        %add3A_186 = arith.addi %scan3A_73, %add3A_185 : i32
        %mul3A_187 = arith.constant 4 : i32
        %mul3A_188 = arith.muli %add3A_186, %mul3A_187 : i32
        %add3A_189 = arith.constant 0 : i32
        %add3A_190 = arith.addi %mul3A_188, %add3A_189 : i32
        %mul3A_191 = arith.constant 112 : i32
        %mul3A_192 = arith.muli %add3A_190, %mul3A_191 : i32
        %dma_start3A_193 = tpu.memref_slice %arg6[%mul3A_192] : memref<3136xi32, #tpu.memory_space<vmem>> -> memref<112xi32, #tpu.memory_space<vmem>>
        %dma_start3A_194 = arith.constant 0 : i32
        %dma_start3A_195 = arith.constant 0 : i32
        %dma_start3A_196 = tpu.memref_slice %arg5[%dma_start3A_194, %dma_start3A_195] : memref<10x128xf32, #tpu.memory_space<vmem_shared>> -> memref<10x128xf32, #tpu.memory_space<vmem_shared>>
        tpu.enqueue_indirect_dma source(%dma_start3A_196 : memref<10x128xf32, #tpu.memory_space<vmem_shared>>) target(%arg7 : memref<112x128xf32, #tpu.memory_space<vmem>>) offsets(%dma_start3A_193 : memref<112xi32, #tpu.memory_space<vmem>>) semaphore(%arg11 : memref<!tpu.dma_semaphore, #tpu.memory_space<semaphore_mem>>)
      } else {
      }
      %dma_wait3A_152 = arith.constant 0 : i32
      %dma_wait3A_153 = arith.constant 0 : i32
      %dma_wait3A_154 = tpu.memref_slice %arg4[%dma_wait3A_152, %dma_wait3A_153] : memref<100000x128xf32, #tpu.memory_space<hbm>> -> memref<112x128xf32, #tpu.memory_space<hbm>>
      %dma_wait3A_155 = arith.constant 0 : i32
      %dma_wait3A_156 = arith.constant 0 : i32
      %dma_wait3A_157 = tpu.memref_slice %arg4[%dma_wait3A_155, %dma_wait3A_156] : memref<100000x128xf32, #tpu.memory_space<hbm>> -> memref<112x128xf32, #tpu.memory_space<hbm>>
      tpu.wait_dma2 semaphore(%arg16 : memref<!tpu.dma_semaphore, #tpu.memory_space<semaphore_mem>>) src(%arg8 : memref<112x128xf32, #tpu.memory_space<vmem>>) dst(%dma_wait3A_157 : memref<112x128xf32, #tpu.memory_space<hbm>>)
      %lt3A_158 = arith.constant 6 : i32
      %lt3A_159 = arith.cmpi slt, %scan3A_73, %lt3A_158 : i32
      %convert_element_type3A_160 = arith.extui %lt3A_159 : i1 to i32
      %cond3A_161 = arith.constant 0 : i32
      %cond3A_162 = arith.cmpi ne, %convert_element_type3A_160, %cond3A_161 : i32
      scf.if %cond3A_162 {
        %add3A_185 = arith.constant 1 : i32
        %add3A_186 = arith.addi %scan3A_73, %add3A_185 : i32
        %mul3A_187 = arith.constant 4 : i32
        %mul3A_188 = arith.muli %add3A_186, %mul3A_187 : i32
        %add3A_189 = arith.constant 1 : i32
        %add3A_190 = arith.addi %mul3A_188, %add3A_189 : i32
        %mul3A_191 = arith.constant 112 : i32
        %mul3A_192 = arith.muli %add3A_190, %mul3A_191 : i32
        %dma_start3A_193 = tpu.memref_slice %arg6[%mul3A_192] : memref<3136xi32, #tpu.memory_space<vmem>> -> memref<112xi32, #tpu.memory_space<vmem>>
        %dma_start3A_194 = arith.constant 0 : i32
        %dma_start3A_195 = arith.constant 0 : i32
        %dma_start3A_196 = tpu.memref_slice %arg5[%dma_start3A_194, %dma_start3A_195] : memref<10x128xf32, #tpu.memory_space<vmem_shared>> -> memref<10x128xf32, #tpu.memory_space<vmem_shared>>
        tpu.enqueue_indirect_dma source(%dma_start3A_196 : memref<10x128xf32, #tpu.memory_space<vmem_shared>>) target(%arg8 : memref<112x128xf32, #tpu.memory_space<vmem>>) offsets(%dma_start3A_193 : memref<112xi32, #tpu.memory_space<vmem>>) semaphore(%arg12 : memref<!tpu.dma_semaphore, #tpu.memory_space<semaphore_mem>>)
      } else {
      }
      %dma_wait3A_163 = arith.constant 0 : i32
      %dma_wait3A_164 = arith.constant 0 : i32
      %dma_wait3A_165 = tpu.memref_slice %arg4[%dma_wait3A_163, %dma_wait3A_164] : memref<100000x128xf32, #tpu.memory_space<hbm>> -> memref<112x128xf32, #tpu.memory_space<hbm>>
      %dma_wait3A_166 = arith.constant 0 : i32
      %dma_wait3A_167 = arith.constant 0 : i32
      %dma_wait3A_168 = tpu.memref_slice %arg4[%dma_wait3A_166, %dma_wait3A_167] : memref<100000x128xf32, #tpu.memory_space<hbm>> -> memref<112x128xf32, #tpu.memory_space<hbm>>
      tpu.wait_dma2 semaphore(%arg17 : memref<!tpu.dma_semaphore, #tpu.memory_space<semaphore_mem>>) src(%arg9 : memref<112x128xf32, #tpu.memory_space<vmem>>) dst(%dma_wait3A_168 : memref<112x128xf32, #tpu.memory_space<hbm>>)
      %lt3A_169 = arith.constant 6 : i32
      %lt3A_170 = arith.cmpi slt, %scan3A_73, %lt3A_169 : i32
      %convert_element_type3A_171 = arith.extui %lt3A_170 : i1 to i32
      %cond3A_172 = arith.constant 0 : i32
      %cond3A_173 = arith.cmpi ne, %convert_element_type3A_171, %cond3A_172 : i32
      scf.if %cond3A_173 {
        %add3A_185 = arith.constant 1 : i32
        %add3A_186 = arith.addi %scan3A_73, %add3A_185 : i32
        %mul3A_187 = arith.constant 4 : i32
        %mul3A_188 = arith.muli %add3A_186, %mul3A_187 : i32
        %add3A_189 = arith.constant 2 : i32
        %add3A_190 = arith.addi %mul3A_188, %add3A_189 : i32
        %mul3A_191 = arith.constant 112 : i32
        %mul3A_192 = arith.muli %add3A_190, %mul3A_191 : i32
        %dma_start3A_193 = tpu.memref_slice %arg6[%mul3A_192] : memref<3136xi32, #tpu.memory_space<vmem>> -> memref<112xi32, #tpu.memory_space<vmem>>
        %dma_start3A_194 = arith.constant 0 : i32
        %dma_start3A_195 = arith.constant 0 : i32
        %dma_start3A_196 = tpu.memref_slice %arg5[%dma_start3A_194, %dma_start3A_195] : memref<10x128xf32, #tpu.memory_space<vmem_shared>> -> memref<10x128xf32, #tpu.memory_space<vmem_shared>>
        tpu.enqueue_indirect_dma source(%dma_start3A_196 : memref<10x128xf32, #tpu.memory_space<vmem_shared>>) target(%arg9 : memref<112x128xf32, #tpu.memory_space<vmem>>) offsets(%dma_start3A_193 : memref<112xi32, #tpu.memory_space<vmem>>) semaphore(%arg13 : memref<!tpu.dma_semaphore, #tpu.memory_space<semaphore_mem>>)
      } else {
      }
      %dma_wait3A_174 = arith.constant 0 : i32
      %dma_wait3A_175 = arith.constant 0 : i32
      %dma_wait3A_176 = tpu.memref_slice %arg4[%dma_wait3A_174, %dma_wait3A_175] : memref<100000x128xf32, #tpu.memory_space<hbm>> -> memref<112x128xf32, #tpu.memory_space<hbm>>
      %dma_wait3A_177 = arith.constant 0 : i32
      %dma_wait3A_178 = arith.constant 0 : i32
      %dma_wait3A_179 = tpu.memref_slice %arg4[%dma_wait3A_177, %dma_wait3A_178] : memref<100000x128xf32, #tpu.memory_space<hbm>> -> memref<112x128xf32, #tpu.memory_space<hbm>>
      tpu.wait_dma2 semaphore(%arg18 : memref<!tpu.dma_semaphore, #tpu.memory_space<semaphore_mem>>) src(%arg10 : memref<112x128xf32, #tpu.memory_space<vmem>>) dst(%dma_wait3A_179 : memref<112x128xf32, #tpu.memory_space<hbm>>)
      %lt3A_180 = arith.constant 6 : i32
      %lt3A_181 = arith.cmpi slt, %scan3A_73, %lt3A_180 : i32
      %convert_element_type3A_182 = arith.extui %lt3A_181 : i1 to i32
      %cond3A_183 = arith.constant 0 : i32
      %cond3A_184 = arith.cmpi ne, %convert_element_type3A_182, %cond3A_183 : i32
      scf.if %cond3A_184 {
        %add3A_185 = arith.constant 1 : i32
        %add3A_186 = arith.addi %scan3A_73, %add3A_185 : i32
        %mul3A_187 = arith.constant 4 : i32
        %mul3A_188 = arith.muli %add3A_186, %mul3A_187 : i32
        %add3A_189 = arith.constant 3 : i32
        %add3A_190 = arith.addi %mul3A_188, %add3A_189 : i32
        %mul3A_191 = arith.constant 112 : i32
        %mul3A_192 = arith.muli %add3A_190, %mul3A_191 : i32
        %dma_start3A_193 = tpu.memref_slice %arg6[%mul3A_192] : memref<3136xi32, #tpu.memory_space<vmem>> -> memref<112xi32, #tpu.memory_space<vmem>>
        %dma_start3A_194 = arith.constant 0 : i32
        %dma_start3A_195 = arith.constant 0 : i32
        %dma_start3A_196 = tpu.memref_slice %arg5[%dma_start3A_194, %dma_start3A_195] : memref<10x128xf32, #tpu.memory_space<vmem_shared>> -> memref<10x128xf32, #tpu.memory_space<vmem_shared>>
        tpu.enqueue_indirect_dma source(%dma_start3A_196 : memref<10x128xf32, #tpu.memory_space<vmem_shared>>) target(%arg10 : memref<112x128xf32, #tpu.memory_space<vmem>>) offsets(%dma_start3A_193 : memref<112xi32, #tpu.memory_space<vmem>>) semaphore(%arg14 : memref<!tpu.dma_semaphore, #tpu.memory_space<semaphore_mem>>)
      } else {
      }
    }
    %scan3A_72 = arith.constant 7 : i32
    return
  }
}

</mosaic_0001>

<sc_bundles>
// kernel: kernel.3.cloned.1.call-start
scs
__scs_entry_jumppad:
0x0: {  	(pc) =	sbr.rel $0x88, $3  }
0x1: {  	(tag) =	ssettag $0x0;
	lr =	simm.s32 $0x1  }
0x2: {  	[smem:$0x3F9F] =	sst lr;
	_ =	strace $0xD0000000  }
0x3: {  	_ = 	snop  }
0x4: {  	_ = 	snop  }
0x5: {  	_ = 	snop  }
0x6: {  	_ = 	snop  }
0x7: {  	_ = 	snop  }
__scs_overlays_trampoline_lowered:
0x8: {  	[smem:$0x3FAE] =	sst s0  }
0x9: {  	[smem:$0x3FAF] =	sst s1  }
0xa: {  	[smem:$0x3FB0] =	sst s2  }
0xb: {  	[smem:$0x3FB1] =	sst s3  }
0xc: {  	[smem:$0x3FB2] =	sst s4  }
0xd: {  	[smem:$0x3FB3] =	sst s5  }
0xe: {  	[smem:$0x3FB4] =	sst s6  }
0xf: {  	[smem:$0x3FB5] =	sst s7  }
0x10: {  	[smem:$0x3FB6] =	sst s8  }
0x11: {  	[smem:$0x3FB7] =	sst s9;
	s0 =	simm.s32 @!p0 $0x0  }
0x12: {  	s1 =	sld [smem:$0x3F9D];
	s0 =	simm.s32 @p0 $0x1  }
0x13: {  	[smem:$0x3FB8] =	sst s0;
	s0 =	simm.s32 @!p1 $0x0  }
0x14: {  	s2 =	sld [smem:$0x3F9C];
	s0 =	simm.s32 @p1 $0x1  }
0x15: {  	[smem:$0x3FB9] =	sst s0;
	s0 =	simm.s32 @!p2 $0x0  }
0x16: {  	s3 =	sld [smem:$0x3FDB];
	s0 =	simm.s32 @p2 $0x1  }
0x17: {  	s4 =	simm.s32 $0x1BF5;
	[smem:$0x3FBB] =	sst s0  }
0x18: {  	s0 =	sld [smem:$0x3F9E];
	_ =	swait.ge [sflag:s4], $0x0  }
0x19: {  	s7 =	sld [smem:$0x3F9F]  }
0x1a: {  	s8 =	sadd.s32 $0xFFFFE003, lr  }
0x1b: {  	s9 =	sadd.s32 $0xFFFFFEF7, lr;
	s5 =	simm.s32 $0xFFFFFFFF;
	p2 =	slt.u32 s8, $0xFFFFF086  }
0x1c: {  	p1 =	slt.u32 s9, $0xF7A;
	s5 =	simm.s32 @!p2 $0x0  }
0x1d: {  	s5 =	simm.s32 @p1 $0x1;
	p0 =	seq.s32 s7, s2  }
0x1e: {  	s7 =	smul.u32 @!p0 $0xF7A, s2;
	p2 =	seq.s32 @!p0 s5, $0x0  }
0x1f: {  	s9 =	smul.u32 $0xF7A, s1;
	s8 =	simm.s32 @!p0 $0x1BF5;
	p2 =	por !p2, p0  }
0x20: {  	[sflag:s8] =	ssyncset.s32 @!p0 $0xFFFFF086;
	s6 =	sadd.s32 @!p0 s3, s7;
	s7 =	simm.s32 @!p0 $0x108  }
0x21: {  	s3 =	sadd.s32 s3, s9;
	s6 =	sadd.s32 @!p0 $0x88, s6;
	s7 =	simm.s32 @p2 $0x1082  }
0x22: {  	[simem:s7], [sflag:s8] =	dma.local @!p0 [hbm:s6], $0xF7A  }
0x23: {  	s9 =	sor.u32 $0xD0000000, s2;
	s6 =	simm.s32 $0x108;
	_ =	swait.ge @!p0 [sflag:s8], $0x0  }
0x24: {  	s3 =	sadd.s32 $0x88, s3;
	s6 =	simm.s32 @!p1 $0x1082;
	[sflag:s4] =	ssyncset.s32 $0xFFFFF086  }
0x25: {  	[simem:s6], [sflag:s4] =	dma.local [hbm:s3], $0xF7A  }
0x26: {  	[smem:$0x3F9F] =	sst s1;
	(tag) =	ssettag s2;
	_ =	strace s9  }
0x27: {  	s1 =	sld [smem:$0x3FAF]  }
0x28: {  	s2 =	sld [smem:$0x3FB0]  }
0x29: {  	s4 =	sld [smem:$0x3FB2]  }
0x2a: {  	p0 =	seq.s32 s5, $0x0;
	s5 =	sld [smem:$0x3FB3]  }
0x2b: {  	s6 =	sld [smem:$0x3FB4]  }
0x2c: {  	s7 =	sld [smem:$0x3FB5]  }
0x2d: {  	s3 =	simm.s32 $0x108;
	s8 =	sld [smem:$0x3FB6]  }
0x2e: {  	s3 =	simm.s32 @!p0 $0x1082;
	s9 =	sld [smem:$0x3FB7]  }
0x2f: {  	lr =	sadd.s32 s0, s3;
	s0 =	sld [smem:$0x3FAE]  }
0x30: {  	s3 =	sld [smem:$0x3FB1]  }
0x31: {  	[smem:$0x3FBA] =	sst s10  }
0x32: {  	s10 =	sld [smem:$0x3FB8];
	_ =	sdelay $0x3  }
0x33: {  	p0 =	seq.s32 s10, $0x1;
	s10 =	sld [smem:$0x3FBA];
	_ =	sdelay $0x3  }
0x34: {  	[smem:$0x3FBA] =	sst s10  }
0x35: {  	s10 =	sld [smem:$0x3FB9];
	_ =	sdelay $0x3  }
0x36: {  	p1 =	seq.s32 s10, $0x1;
	s10 =	sld [smem:$0x3FBA];
	_ =	sdelay $0x3  }
0x37: {  	[smem:$0x3FBA] =	sst s10  }
0x38: {  	s10 =	sld [smem:$0x3FBB]  }
0x39: {  	_ = 	snop;
	(pc) =	sbr.ind lr, $3  }
0x3a: {  	_ = 	snop  }
0x3b: {  	_ = 	snop  }
0x3c: {  	p2 =	seq.s32 s10, $0x1;
	s10 =	sld [smem:$0x3FBA]  }
0x3d: {  	_ =	shalt  }
0x3e: {  	_ =	shalt  }
0x3f: {  	_ =	shalt  }
0x40: {  	_ =	shalt  }
0x41: {  	_ =	shalt  }
0x42: {  	_ =	shalt  }
0x43: {  	_ =	shalt  }
0x44: {  	_ =	shalt  }
0x45: {  	_ =	shalt  }
0x46: {  	_ =	shalt  }
0x47: {  	_ =	shalt  }
0x48: {  	_ =	shalt  }
0x49: {  	_ =	shalt  }
0x4a: {  	_ =	shalt  }
0x4b: {  	_ =	shalt  }
0x4c: {  	_ =	shalt  }
0x4d: {  	_ =	shalt  }
0x4e: {  	_ =	shalt  }
0x4f: {  	_ =	shalt  }
0x50: {  	_ =	shalt  }
0x51: {  	_ =	shalt  }
0x52: {  	_ =	shalt  }
0x53: {  	_ =	shalt  }
0x54: {  	_ =	shalt  }
0x55: {  	_ =	shalt  }
0x56: {  	_ =	shalt  }
0x57: {  	_ =	shalt  }
0x58: {  	_ =	shalt  }
0x59: {  	_ =	shalt  }
0x5a: {  	_ =	shalt  }
0x5b: {  	_ =	shalt  }
0x5c: {  	_ =	shalt  }
0x5d: {  	_ =	shalt  }
0x5e: {  	_ =	shalt  }
0x5f: {  	_ =	shalt  }
0x60: {  	_ =	shalt  }
0x61: {  	_ =	shalt  }
0x62: {  	_ =	shalt  }
0x63: {  	_ =	shalt  }
0x64: {  	_ =	shalt  }
0x65: {  	_ =	shalt  }
0x66: {  	_ =	shalt  }
0x67: {  	_ =	shalt  }
0x68: {  	_ =	shalt  }
0x69: {  	_ =	shalt  }
0x6a: {  	_ =	shalt  }
0x6b: {  	_ =	shalt  }
0x6c: {  	_ =	shalt  }
0x6d: {  	_ =	shalt  }
0x6e: {  	_ =	shalt  }
0x6f: {  	_ =	shalt  }
0x70: {  	_ =	shalt  }
0x71: {  	_ =	shalt  }
0x72: {  	_ =	shalt  }
0x73: {  	_ =	shalt  }
0x74: {  	_ =	shalt  }
0x75: {  	_ =	shalt  }
0x76: {  	_ =	shalt  }
0x77: {  	_ =	shalt  }
0x78: {  	_ =	shalt  }
0x79: {  	_ =	shalt  }
0x7a: {  	_ =	shalt  }
0x7b: {  	_ =	shalt  }
0x7c: {  	_ =	shalt  }
0x7d: {  	_ =	shalt  }
0x7e: {  	_ =	shalt  }
0x7f: {  	_ =	shalt  }
0x80: {  	_ =	shalt  }
0x81: {  	_ =	shalt  }
0x82: {  	_ =	shalt  }
0x83: {  	_ =	shalt  }
0x84: {  	_ =	shalt  }
0x85: {  	_ =	shalt  }
0x86: {  	_ =	shalt  }
0x87: {  	_ =	shalt  }
.Lfunc_end0:
.L_simem_size_0:
called_computation_lowered:
.L_overlay_start_0:
0x88: {  	s2 =	sld [smem:$0x3FD9]  }
0x89: {  	s3 =	sld [smem:$0x3FFE];
	_ =	sdelay $0x1  }
0x8a: {  	s1 =	srdreg.scid  }
0x8b: {  	s0 =	sand.u32 $0x1, s1  }
0x8c: {  	s18 =	sshll.u32 s0, $0xA;
	s2 =	sadd.s32 s3, s2  }
0x8d: {  	s2 =	sadd.s32 s2, s18  }
0x8e: {  	[smem:$0x3FC6] =	sst s2  }
0x8f: {  	_ = 	snop  }
0x90: {  	s2 =	sld [smem:$0x3FC9]  }
0x91: {  	s19 =	sld [smem:$0x3FC8]  }
0x92: {  	s4 =	sld [smem:$0x3FD0];
	(tm) =	ssettm $0x1  }
0x93: {  	s5 =	sld [smem:$0x3FFB];
	_ =	sdelay $0x3  }
0x94: {  	_ =	strace s5  }
0x95: {  	s5 =	sld [smem:$0x3FFC];
	_ =	sdelay $0x3  }
0x96: {  	_ =	strace s5  }
0x97: {  	s5 =	sld [smem:$0x3FFD];
	_ =	sdelay $0x3  }
0x98: {  	_ =	strace s5  }
0x99: {  	_ =	strace $0x8FFFFFFF  }
0x9a: {  	s20 =	sld [smem:$0x3FDB];
	_ =	sdelay $0x1  }
0x9b: {  	s6 =	simm.s32 $_scs_section_size  }
0x9c: {  	s7 =	simm.s32 $_size__tile_overlayer_lowered;
	s8 =	simm.s32 $_tile_overlayer_lowered  }
0x9d: {  	s23 =	simm.s32 $0x1BFF;
	s22 =	sshll.u32 s8, $0x1;
	s5 =	sadd.s32 s6, s20  }
0x9e: {  	s9 =	simm.s32 $0x0;
	s21 =	sshll.u32 s7, $0x1;
	s7 =	sadd.s32 s22, s5  }
0x9f: {  	[timem:s9], [sflag:s23] =	dma.local [hbm:s7], s21  }
0xa0: {  	_ =	swait.ge [sflag:s23], s21  }
0xa1: {  	s6 =	ssub.s32 $0x0, s21;
	[sflag:s23] =	ssyncset.done $0x0  }
0xa2: {  	[sflag:s23] =	ssyncadd.s32 s6;
	_ =	sdelay $0x1  }
0xa3: {  	s24 =	simm.s32 $0x1B8B  }
0xa4: {  	_ =	swait.ge [sflag:s24], $0x1  }
0xa5: {  	[sflag:s24] =	ssyncset.done $0x0  }
0xa6: {  	s25 =	simm.s32 $0x1B8E;
	[sflag:s24] =	ssyncadd.s32 $0xFFFFFFFF  }
0xa7: {  	s26 =	simm.s32 $execute0_lowered;
	[smem:$0x3FD2] =	sst s25  }
0xa8: {  	s6 =	sshll.u32 s26, $0x1;
	_ =	strace $0x80000046;
	[dreg:$0x1] =	wrdreg $0xFFFFFFFF  }
0xa9: {  	s28 =	simm.s32 $_size_execute0_lowered;
	s5 =	sadd.s32 s5, s6;
	[dreg:$0x0] =	wrdreg $0x0  }
0xaa: {  	s6 =	sshll.u32 s28, $0x1;
	[dreg:$0x2] =	wrdreg s5  }
0xab: {  	[dreg:$0x3] =	wrdreg s6  }
0xac: {  	[dreg:$0x4] =	wrdreg $0xC0  }
0xad: {  	_ =	task [dreg:s9], $0x5FFFF  }
0xae: {  	[dreg:$0x1] =	wrdreg $0xFFFFFFFF  }
0xaf: {  	[dreg:$0x0] =	wrdreg $0x60  }
0xb0: {  	[dreg:$0x2] =	wrdreg s2  }
0xb1: {  	[dreg:$0x3] =	wrdreg s19  }
0xb2: {  	[dreg:$0x4] =	wrdreg s4  }
0xb3: {  	[dreg:$0x5] =	wrdreg $0x0  }
0xb4: {  	[dreg:$0x6] =	wrdreg $0x9  }
0xb5: {  	_ =	task.clear_ibuf [dreg:s9], $0x7FFFF;
	_ =	strace $0x90000046  }
0xb6: {  	s29 =	simm.s32 $0x9;
	_ =	strace $0x80000048  }
0xb7: {  	_ =	swait.ge [sflag:s29], $0x1  }
0xb8: {  	[sflag:s29] =	ssyncadd.s32 $0xFFFFFFFF  }
0xb9: {  	_ =	strace $0x90000048  }
0xba: {  	_ =	sfence  }
0xbb: {  	s30 =	sld [smem:$0x0];
	_ =	sdelay $0x2  }
0xbc: {  	s31 =	sshll.u32 s1, $0xD;
	s1 =	sshrl.u32 s1, $0x2  }
0xbd: {  	s3 =	sand.u32 $0x4000, s31;
	s1 =	sadd.s32 s1, s30  }
0xbe: {  	s0 =	sor.u32 s3, s0;
	s1 =	sshll.u32 s1, $0x11  }
0xbf: {  	s0 =	sor.u32 s1, s0  }
0xc0: {  	s0 =	sadd.s32 $0x8F2B, s0  }
0xc1: {  	[sflag:s0] =	ssyncadd.remote.s32 $0x1  }
0xc2: {  	_ =	sfence.sel $0xFFFF  }
0xc3: {  	[dreg:$0x0] =	wrdreg $0xFFFFFFFF;
	(pc) =	sbr.abs _section_cstart, $3  }
0xc4: {  	[dreg:$0x1] =	wrdreg $0xFFFFFFFF  }
0xc5: {  	_ =	task.clear_ibuf [dreg:s9], $0x2FFFF;
	_ =	strace $0x9FFFFFFF  }
0xc6: {  	(tm) =	ssettm $0x7FFFFFFF  }
0xc7: {  	_ =	shalt  }
tec
execute0_lowered:
.L_overlay_start_1:
0x0: {  	(tag) =	ssettag $0x1  }
0x1: {  	s0 =	srdreg.scid;
	s4 =	rddreg [dreg:$0x0]  }
0x2: {  	s1 =	stileid.u32;
	s5 =	rddreg [dreg:$0x2];
	s12 =	simm.s32 $0x50  }
0x3: {  	s13 =	simm.s32 $0xC0;
	s15 =	simm.s32 $0x9;
	s16 =	simm.s32 $0x70  }
0x4: {  	s17 =	simm.s32 $0xCD0;
	s18 =	simm.s32 $0xA;
	s19 =	simm.s32 $0x44D0  }
0x5: {  	s21 =	simm.s32 $0x7CD0;
	s23 =	simm.s32 $0xB4D0;
	s28 =	simm.s32 $0x4  }
0x6: {  	s29 =	simm.s32 $0x5;
	s30 =	simm.s32 $0x6;
	s31 =	simm.s32 $0x7  }
0x7: {  	s0 =	sand.u32 $0x1, s0;
	s2 =	sshll.u32 s1, $0x1;
	s7 =	smul.u32 $0x6FA, s1  }
0x8: {  	s2 =	sor.u32 s0, s2;
	s8 =	smul.u32 $0x37D, s0;
	s0 =	ssub.s32 $0x2, s0  }
0x9: {  	p0 =	sne.s32 s1, $0x0;
	s2 =	smul.u32 $0x37D, s2;
	s24 =	sshrl.u32 s0, $0x1  }
0xa: {  	s1 =	simm.s32 $0x0;
	s7 =	sadd.s32 s8, s7;
	s0 =	ssub.s32 s0, s24  }
0xb: {  	s24 =	simm.s32 $0x1;
	s3 =	sshrl.u32 s2, $0x5;
	s2 =	rddreg [dreg:$0x3]  }
0xc: {  	s7 =	sshrl.u32 s7, $0x5;
	s6 =	smul.u32 $0x70, s3;
	s3 =	simm.s32 $0x0  }
0xd: {  	s0 =	smax.u32 s0, $0x1;
	s25 =	smul.u32 $0x70, s7;
	[smem:$0x7FF] =	sst s3  }
0xe: {  	s14 =	sshrl.u32 @!p0 s2, $0x3;
	_ =	strace $0x80000047;
	s6 =	smin.u32 s6, $0x17A60  }
0xf: {  	[dreg:$0x7] =	wrdreg s0;
	s26 =	smin.u32 s25, $0x17A60;
	s25 =	simm.s32 $0x2  }
0x10: {  	s9 =	sshrl.u32 s6, $0x3;
	s6 =	sshll.u32 s6, $0x4;
	s0 =	sshll.u32 s26, $0x4  }
0x11: {  	s26 =	simm.s32 $0x3;
	s4 =	sadd.s32 s4, s9;
	s10 =	sadd.s32 s5, s6  }
0x12: {  	s11 =	sadd.s32 s0, s5;
	s0 =	simm.s32 $0x8;
	[dreg:$0x5] =	wrdreg s4  }
0x13: {  	s4 =	sadd.s32 $0xE, s4;
	s7 =	sadd.s32 $0xA800, s10;
	s8 =	sadd.s32 $0xAF00, s10  }
0x14: {  	s9 =	sadd.s32 $0xB600, s10;
	s10 =	sadd.s32 $0xBD00, s10;
	[dreg:$0x6] =	wrdreg s4  }
.LBB2_1:
0x15: {  	s4 =	rddreg [dreg:$0x5]  }
0x16: {  	[tilespmem:s12], [sflag:$0x9] =	stream.linear.gather [hbm4b:s4+s3], $0x70, $0x38;
	[tilespmem:$0xECD0] =	vst v63  }
0x17: {  	s5 =	rddreg [dreg:$0x6]  }
0x18: {  	[tilespmem:s13], [sflag:$0xA] =	stream.linear.gather [hbm4b:s5+s3], $0xBD0, $0x38;
	[tilespmem:$0xECD0] =	vst v63  }
0x19: {  	s4 =	rddreg [dreg:$0x1];
	s5 =	simm.s32 @!p0 $0x1C0B  }
0x1a: {  	[spmem:s14], [sflag:s5] =	dma.local @!p0 [hbm:s4], $0xA0  }
0x1b: {  	s5 =	simm.s32 @!p0 $0xB  }
0x1c: {  	_ =	swait.ge @!p0 [sflag:s5], $0xA0  }
0x1d: {  	[sflag:s5] =	ssyncset.done @!p0 $0x0  }
0x1e: {  	[sflag:s5] =	ssyncadd.s32 @!p0 $0xFFFFFF60  }
0x1f: {  	[bflag:$0x0] =	sbarrier.arrive $0xFFFF  }
0x20: {  	_ =	swait.ge [sflag:s15], $0x70  }
0x21: {  	[sflag:s15] =	ssyncset.done $0x0  }
0x22: {  	[sflag:s15] =	ssyncadd.s32 $0xFFFFFF90  }
0x23: {  	[tilespmem:s17], [sflag:$0x1] =	stream.indirect.gather [spmem:s2], $0x80, s12, s16, $0xb8;
	[tilespmem:$0xECD0] =	vst v63  }
0x24: {  	_ =	swait.ge [sflag:s18], $0xBD0  }
0x25: {  	[sflag:s18] =	ssyncset.done $0x0  }
0x26: {  	[sflag:s18] =	ssyncadd.s32 $0xFFFFF430  }
0x27: {  	[tilespmem:s19], [sflag:$0x2] =	stream.indirect.gather [spmem:s2], $0x80, s13, s16, $0xb8;
	[tilespmem:$0xECD0] =	vst v63  }
0x28: {  	s6 =	simm.s32 $0x130  }
0x29: {  	[tilespmem:s21], [sflag:$0x3] =	stream.indirect.gather [spmem:s2], $0x80, s6, s16, $0xb8;
	[tilespmem:$0xECD0] =	vst v63  }
0x2a: {  	s20 =	simm.s32 $0x1A0  }
0x2b: {  	[tilespmem:s23], [sflag:$0x4] =	stream.indirect.gather [spmem:s2], $0x80, s20, s16, $0xb8;
	[tilespmem:$0xECD0] =	vst v63  }
0x2c: {  	_ =	swait.ge [sflag:s24], $0x3800  }
0x2d: {  	[sflag:s24] =	ssyncset.done $0x0  }
0x2e: {  	s22 =	sadd.s32 $0x0, s11;
	[sflag:s24] =	ssyncadd.s32 $0xFFFFC800  }
0x2f: {  	[hbm4b:s22+s3] =	stream.linear.scatter [tilespmem:s17], [sflag:$0x5], $0x3800, $0x38;
	[tilespmem:$0xECD0] =	vst v63  }
0x30: {  	_ =	swait.ge [sflag:s25], $0x3800  }
0x31: {  	[sflag:s25] =	ssyncset.done $0x0  }
0x32: {  	s20 =	sadd.s32 $0x700, s22;
	[sflag:s25] =	ssyncadd.s32 $0xFFFFC800  }
0x33: {  	[hbm4b:s20+s3] =	stream.linear.scatter [tilespmem:s19], [sflag:$0x6], $0x3800, $0x38;
	[tilespmem:$0xECD0] =	vst v63  }
0x34: {  	_ =	swait.ge [sflag:s26], $0x3800  }
0x35: {  	[sflag:s26] =	ssyncset.done $0x0  }
0x36: {  	s4 =	sadd.s32 $0xE00, s22;
	[sflag:s26] =	ssyncadd.s32 $0xFFFFC800  }
0x37: {  	[hbm4b:s4+s3] =	stream.linear.scatter [tilespmem:s21], [sflag:$0x7], $0x3800, $0x38;
	[tilespmem:$0xECD0] =	vst v63  }
0x38: {  	_ =	swait.ge [sflag:s28], $0x3800  }
0x39: {  	[sflag:s28] =	ssyncset.done $0x0  }
0x3a: {  	s5 =	sadd.s32 $0x1500, s22;
	[sflag:s28] =	ssyncadd.s32 $0xFFFFC800  }
0x3b: {  	[hbm4b:s5+s3] =	stream.linear.scatter [tilespmem:s23], [sflag:$0x8], $0x3800, $0x38;
	[tilespmem:$0xECD0] =	vst v63  }
0x3c: {  	_ =	swait.ge [sflag:s29], $0x3800  }
0x3d: {  	[sflag:s29] =	ssyncset.done $0x0  }
0x3e: {  	s6 =	simm.s32 $0x210;
	[sflag:s29] =	ssyncadd.s32 $0xFFFFC800  }
0x3f: {  	[tilespmem:s17], [sflag:$0x1] =	stream.indirect.gather [spmem:s2], $0x80, s6, s16, $0xb8;
	[tilespmem:$0xECD0] =	vst v63  }
0x40: {  	_ =	swait.ge [sflag:s30], $0x3800  }
0x41: {  	[sflag:s30] =	ssyncset.done $0x0  }
0x42: {  	s20 =	simm.s32 $0x280;
	[sflag:s30] =	ssyncadd.s32 $0xFFFFC800  }
0x43: {  	[tilespmem:s19], [sflag:$0x2] =	stream.indirect.gather [spmem:s2], $0x80, s20, s16, $0xb8;
	[tilespmem:$0xECD0] =	vst v63  }
0x44: {  	_ =	swait.ge [sflag:s31], $0x3800  }
0x45: {  	[sflag:s31] =	ssyncset.done $0x0  }
0x46: {  	s22 =	simm.s32 $0x2F0;
	[sflag:s31] =	ssyncadd.s32 $0xFFFFC800  }
0x47: {  	[tilespmem:s21], [sflag:$0x3] =	stream.indirect.gather [spmem:s2], $0x80, s22, s16, $0xb8;
	[tilespmem:$0xECD0] =	vst v63  }
0x48: {  	_ =	swait.ge [sflag:s0], $0x3800  }
0x49: {  	s5 =	simm.s32 $0x520;
	[sflag:s0] =	ssyncset.done $0x0  }
0x4a: {  	s20 =	simm.s32 $0x360;
	s22 =	simm.s32 $0x1C00;
	[sflag:s0] =	ssyncadd.s32 $0xFFFFC800  }
.LBB2_2:
0x4b: {  	[tilespmem:s23], [sflag:$0x4] =	stream.indirect.gather [spmem:s2], $0x80, s20, s16, $0xb8;
	[tilespmem:$0xECD0] =	vst v63  }
0x4c: {  	s6 =	smov.u32 s22;
	s20 =	smov.u32 s5  }
0x4d: {  	p1 =	sne.s32 s22, $0x8C00;
	s22 =	sadd.s32 $0x1C00, s22;
	_ =	swait.ge [sflag:s24], $0x3800  }
0x4e: {  	[sflag:s24] =	ssyncset.done $0x0  }
0x4f: {  	s6 =	sadd.s32 s6, s11;
	[sflag:s24] =	ssyncadd.s32 $0xFFFFC800  }
0x50: {  	[hbm4b:s6+s3] =	stream.linear.scatter [tilespmem:s17], [sflag:$0x5], $0x3800, $0x38;
	[tilespmem:$0xECD0] =	vst v63  }
0x51: {  	_ =	swait.ge [sflag:s25], $0x3800  }
0x52: {  	[sflag:s25] =	ssyncset.done $0x0  }
0x53: {  	s4 =	sadd.s32 $0x700, s6;
	[sflag:s25] =	ssyncadd.s32 $0xFFFFC800  }
0x54: {  	[hbm4b:s4+s3] =	stream.linear.scatter [tilespmem:s19], [sflag:$0x6], $0x3800, $0x38;
	[tilespmem:$0xECD0] =	vst v63  }
0x55: {  	_ =	swait.ge [sflag:s26], $0x3800  }
0x56: {  	[sflag:s26] =	ssyncset.done $0x0  }
0x57: {  	s4 =	sadd.s32 $0xE00, s6;
	[sflag:s26] =	ssyncadd.s32 $0xFFFFC800  }
0x58: {  	[hbm4b:s4+s3] =	stream.linear.scatter [tilespmem:s21], [sflag:$0x7], $0x3800, $0x38;
	[tilespmem:$0xECD0] =	vst v63  }
0x59: {  	_ =	swait.ge [sflag:s28], $0x3800  }
0x5a: {  	[sflag:s28] =	ssyncset.done $0x0  }
0x5b: {  	s4 =	sadd.s32 $0x1500, s6;
	[sflag:s28] =	ssyncadd.s32 $0xFFFFC800  }
0x5c: {  	[hbm4b:s4+s3] =	stream.linear.scatter [tilespmem:s23], [sflag:$0x8], $0x3800, $0x38;
	[tilespmem:$0xECD0] =	vst v63  }
0x5d: {  	_ =	swait.ge [sflag:s29], $0x3800  }
0x5e: {  	[sflag:s29] =	ssyncset.done $0x0  }
0x5f: {  	s4 =	sadd.s32 $0xFFFFFEB0, s5;
	[sflag:s29] =	ssyncadd.s32 $0xFFFFC800  }
0x60: {  	[tilespmem:s17], [sflag:$0x1] =	stream.indirect.gather [spmem:s2], $0x80, s4, s16, $0xb8;
	[tilespmem:$0xECD0] =	vst v63  }
0x61: {  	_ =	swait.ge [sflag:s30], $0x3800  }
0x62: {  	[sflag:s30] =	ssyncset.done $0x0  }
0x63: {  	s4 =	sadd.s32 $0xFFFFFF20, s5;
	[sflag:s30] =	ssyncadd.s32 $0xFFFFC800  }
0x64: {  	[tilespmem:s19], [sflag:$0x2] =	stream.indirect.gather [spmem:s2], $0x80, s4, s16, $0xb8;
	[tilespmem:$0xECD0] =	vst v63  }
0x65: {  	_ =	swait.ge [sflag:s31], $0x3800  }
0x66: {  	[sflag:s31] =	ssyncset.done $0x0  }
.Ltmp0:
0x67: {  	s4 =	sadd.s32 $0xFFFFFF90, s5;
	[sflag:s31] =	ssyncadd.s32 $0xFFFFC800;
	(pc) =	sbr.rel @p1 .LBB2_2-.Ltmp0, $4  }
0x68: {  	[tilespmem:s21], [sflag:$0x3] =	stream.indirect.gather [spmem:s2], $0x80, s4, s16, $0xb8;
	[tilespmem:$0xECD0] =	vst v63  }
0x69: {  	_ =	swait.ge [sflag:s0], $0x3800  }
0x6a: {  	[sflag:s0] =	ssyncset.done $0x0  }
0x6b: {  	s5 =	sadd.s32 $0x1C0, s5;
	[sflag:s0] =	ssyncadd.s32 $0xFFFFC800  }
0x6c: {  	[tilespmem:s23], [sflag:$0x4] =	stream.indirect.gather [spmem:s2], $0x80, s20, s16, $0xb8;
	[tilespmem:$0xECD0] =	vst v63  }
0x6d: {  	_ =	swait.ge [sflag:s24], $0x3800  }
0x6e: {  	[sflag:s24] =	ssyncset.done $0x0  }
0x6f: {  	[sflag:s24] =	ssyncadd.s32 $0xFFFFC800  }
0x70: {  	[hbm4b:s7+s3] =	stream.linear.scatter [tilespmem:s17], [sflag:$0x5], $0x3800, $0x38;
	[tilespmem:$0xECD0] =	vst v63  }
0x71: {  	_ =	swait.ge [sflag:s25], $0x3800  }
0x72: {  	[sflag:s25] =	ssyncset.done $0x0  }
0x73: {  	[sflag:s25] =	ssyncadd.s32 $0xFFFFC800  }
0x74: {  	[hbm4b:s8+s3] =	stream.linear.scatter [tilespmem:s19], [sflag:$0x6], $0x3800, $0x38;
	[tilespmem:$0xECD0] =	vst v63  }
0x75: {  	_ =	swait.ge [sflag:s26], $0x3800  }
0x76: {  	[sflag:s26] =	ssyncset.done $0x0  }
0x77: {  	[sflag:s26] =	ssyncadd.s32 $0xFFFFC800  }
0x78: {  	[hbm4b:s9+s3] =	stream.linear.scatter [tilespmem:s21], [sflag:$0x7], $0x3800, $0x38;
	[tilespmem:$0xECD0] =	vst v63  }
0x79: {  	_ =	swait.ge [sflag:s28], $0x3800  }
0x7a: {  	[sflag:s28] =	ssyncset.done $0x0  }
0x7b: {  	[sflag:s28] =	ssyncadd.s32 $0xFFFFC800  }
0x7c: {  	[hbm4b:s10+s3] =	stream.linear.scatter [tilespmem:s23], [sflag:$0x8], $0x3800, $0x38;
	[tilespmem:$0xECD0] =	vst v63  }
0x7d: {  	_ =	swait.ge [sflag:s29], $0x3800  }
0x7e: {  	[sflag:s29] =	ssyncset.done $0x0  }
0x7f: {  	[sflag:s29] =	ssyncadd.s32 $0xFFFFC800  }
0x80: {  	_ =	swait.ge [sflag:s30], $0x3800  }
0x81: {  	[sflag:s30] =	ssyncset.done $0x0  }
0x82: {  	[sflag:s30] =	ssyncadd.s32 $0xFFFFC800  }
0x83: {  	_ =	swait.ge [sflag:s31], $0x3800  }
0x84: {  	[sflag:s31] =	ssyncset.done $0x0  }
0x85: {  	[sflag:s31] =	ssyncadd.s32 $0xFFFFC800  }
0x86: {  	_ =	swait.ge [sflag:s0], $0x3800  }
0x87: {  	s1 =	sadd.s32 $0x1, s1;
	s4 =	rddreg [dreg:$0x7]  }
0x88: {  	p1 =	sne.s32 s1, s4  }
.Ltmp1:
0x89: {  	_ = 	snop;
	(pc) =	sbr.rel @p1 .LBB2_1-.Ltmp1, $3  }
0x8a: {  	_ =	sdelay $0x1  }
0x8b: {  	[sflag:s0] =	ssyncset.done $0x0  }
0x8c: {  	[sflag:s0] =	ssyncadd.s32 $0xFFFFC800  }
0x8d: {  	_ =	sfence.sel $0x180000  }
0x8e: {  	[bflag:$0x0] =	sbarrier.arrive $0xFFFF  }
0x8f: {  	_ =	strace $0x90000047  }
0x90: {  	[bflag:$0x2] =	sbarrier.arrive $0xFFFF  }
0x91: {  	s0 =	rddreg [dreg:$0x4]  }
0x92: {  	s0 =	sadd.s32 @!p0 $0x100000, s0  }
0x93: {  	[sflag:s0] =	ssyncadd.tile.s32 @!p0 $0x1;
	_ =	shalt  }
.Lfunc_end2:
_tile_overlayer_lowered:
.L_overlay_start_2:
0x94: {  	(tag) =	ssettag $0x2  }
0x95: {  	s0 =	rddreg [dreg:$0x0];
	s2 =	stileid.u32  }
0x96: {  	s1 =	rddreg [dreg:$0x1];
	p0 =	sne.s32 s2, $0x0  }
0x97: {  	s3 =	rddreg [dreg:$0x2];
	[bflag:$0x3] =	sbarrier.arrive $0xFFFF;
	s2 =	simm.s32 @!p0 $0x1C0B  }
0x98: {  	[timem:s3], [sflag:s2] =	dma.local @!p0 [hbm:s0], s1  }
0x99: {  	s0 =	simm.s32 @!p0 $0xB  }
0x9a: {  	_ =	swait.ge @!p0 [sflag:s0], s1  }
0x9b: {  	s1 =	ssub.s32 @!p0 $0x0, s1;
	[sflag:s0] =	ssyncset.done @!p0 $0x0  }
0x9c: {  	[sflag:s0] =	ssyncadd.s32 @!p0 s1  }
0x9d: {  	[bflag:$0x3] =	sbarrier.arrive $0xFFFF  }
0x9e: {  	_ =	shalt  }

</sc_bundles>
